<compile_context>
chip_gen: v7x
topology: tpu7x:2x2x1
jax: 0.10.2.dev20260603
libtpu: 0.0.44.dev20260713+nightly
codegen_flags: <defaults>
</compile_context>

<pallas_src>
import functools

import jax
import jax.numpy as jnp
from jax import lax
from jax.experimental import pallas as pl
from jax.experimental.pallas import tpu as pltpu
from jax.experimental.pallas import tpu_sc as plsc

LOG2 = 0.6931471805599453

_NC = 2
_NS = 16
_NW = _NC * _NS


def _ssp(v):
    return jax.nn.softplus(v) - LOG2


def _in2f_body(x_ref, w_ref, h_ref):
    h_ref[...] = jnp.dot(x_ref[...], w_ref[...],
                         preferred_element_type=jnp.float32)


def _in2f(x, w, blk):
    n, d = x.shape
    f = w.shape[1]
    return pl.pallas_call(
        _in2f_body,
        grid=(n // blk,),
        in_specs=[
            pl.BlockSpec((blk, d), lambda g: (g, 0)),
            pl.BlockSpec((d, f), lambda g: (0, 0)),
        ],
        out_specs=pl.BlockSpec((blk, f), lambda g: (g, 0)),
        out_shape=jax.ShapeDtypeStruct((n, f), jnp.float32),
    )(x, w)


def _gather_slice(h, idx3, s, e_s, n_chunks, chunk):
    d = h.shape[1]
    epw = e_s // _NW
    mesh = plsc.VectorSubcoreMesh(core_axis_name="c", subcore_axis_name="s")

    dt = h.dtype

    @functools.partial(
        pl.kernel,
        out_type=jax.ShapeDtypeStruct((e_s, d), dt),
        mesh=mesh,
        scratch_types=[
            pltpu.VMEM((n_chunks, chunk), jnp.int32),
            pltpu.VMEM((chunk, d), dt),
            pltpu.SemaphoreType.DMA,
        ],
    )
    def gather_k(h_hbm, idx_hbm, out_hbm, idx_v, buf_v, gsem):
        wid = lax.axis_index("s") * _NC + lax.axis_index("c")
        base = wid * epw
        pltpu.sync_copy(idx_hbm.at[s * _NW + wid], idx_v)

        def body(c, carry):
            pltpu.async_copy(h_hbm.at[idx_v.at[c]], buf_v, gsem).wait()
            pltpu.sync_copy(buf_v, out_hbm.at[pl.ds(base + c * chunk, chunk)])
            return carry

        lax.fori_loop(0, n_chunks, body, 0)

    return gather_k(h, idx3)


def _conv_body(ws_ref, nw_ref, cin_ref, f_ref, xj_ref, idx_ref, rc_ref,
               w1_ref, b1_ref, w2_ref, b2_ref, conv_ref, *, wwin, blk, g0):
    g = pl.program_id(0)

    @pl.when(g == 0)
    def _():
        conv_ref[...] = cin_ref[...]

    u = _ssp(jnp.dot(f_ref[...], w1_ref[...],
                     preferred_element_type=jnp.float32) + b1_ref[...])
    wij = jnp.dot(u, w2_ref[...],
                  preferred_element_type=jnp.float32) + b2_ref[...]
    x_ij = xj_ref[...] * wij * rc_ref[...]

    idx_row = idx_ref[0]
    ws = ws_ref[g0 + g]
    nw = nw_ref[g0 + g]

    def win_body(w, carry):
        base = ws + w * wwin
        local = idx_row - base
        sel = lax.broadcasted_iota(jnp.int32, (wwin, blk), 0) == local
        st = sel.astype(jnp.float32)
        part = jnp.dot(st, x_ij, preferred_element_type=jnp.float32)
        conv_ref[pl.ds(base, wwin), :] = conv_ref[pl.ds(base, wwin), :] + part
        return carry

    lax.fori_loop(0, nw, win_body, 0)


def _conv_slice(conv_in, f_ij, x_j, idx3, rcut2, ws, nw, w1, b1, w2, b2,
                s, n_blocks, blk, wwin):
    e, r = f_ij.shape
    d = x_j.shape[1]
    f = w1.shape[1]
    n_pad = conv_in.shape[0]
    body = functools.partial(_conv_body, wwin=wwin, blk=blk, g0=s * n_blocks)
    return pl.pallas_call(
        body,
        grid_spec=pltpu.PrefetchScalarGridSpec(
            num_scalar_prefetch=2,
            grid=(n_blocks,),
            in_specs=[
                pl.BlockSpec((n_pad, f), lambda g, *_: (0, 0)),
                pl.BlockSpec((blk, r),
                             lambda g, *_, _s=s, _nb=n_blocks: (_s * _nb + g, 0)),
                pl.BlockSpec((blk, d), lambda g, *_: (g, 0)),
                pl.BlockSpec((1, 1, blk),
                             lambda g, *_, _s=s, _nb=n_blocks: (_s * _nb + g, 0, 0)),
                pl.BlockSpec((blk, 1),
                             lambda g, *_, _s=s, _nb=n_blocks: (_s * _nb + g, 0)),
                pl.BlockSpec((r, f), lambda g, *_: (0, 0)),
                pl.BlockSpec((1, f), lambda g, *_: (0, 0)),
                pl.BlockSpec((f, f), lambda g, *_: (0, 0)),
                pl.BlockSpec((1, f), lambda g, *_: (0, 0)),
            ],
            out_specs=pl.BlockSpec((n_pad, f), lambda g, *_: (0, 0)),
        ),
        out_shape=jax.ShapeDtypeStruct((n_pad, f), jnp.float32),
    )(ws, nw, conv_in, f_ij, x_j, idx3, rcut2, w1, b1, w2, b2)


def _out_body(c_ref, w1_ref, b1_ref, w2_ref, b2_ref, o_ref):
    t = _ssp(jnp.dot(c_ref[...], w1_ref[...],
                     preferred_element_type=jnp.float32) + b1_ref[...])
    o_ref[...] = jnp.dot(t, w2_ref[...],
                         preferred_element_type=jnp.float32) + b2_ref[...]


def _f2out(conv_pad, n, w1, b1, w2, b2, blk):
    f = w1.shape[0]
    d = w1.shape[1]
    return pl.pallas_call(
        _out_body,
        grid=(n // blk,),
        in_specs=[
            pl.BlockSpec((blk, f), lambda g: (g, 0)),
            pl.BlockSpec((f, d), lambda g: (0, 0)),
            pl.BlockSpec((1, d), lambda g: (0, 0)),
            pl.BlockSpec((d, d), lambda g: (0, 0)),
            pl.BlockSpec((1, d), lambda g: (0, 0)),
        ],
        out_specs=pl.BlockSpec((blk, d), lambda g: (g, 0)),
        out_shape=jax.ShapeDtypeStruct((n, d), jnp.float32),
    )(conv_pad, w1, b1, w2, b2)


def kernel(x, f_ij, idx_i, idx_j, rcut_ij, W_in2f, W_f1, b_f1, W_f2, b_f2,
           W_o1, b_o1, W_o2, b_o2):
    n, d = x.shape
    e, r = f_ij.shape
    f = W_in2f.shape[1]

    NSLICE = 1
    BLK = 6400
    WWIN = 128
    CHUNK = 80
    NROW = 1000

    e_s = e // NSLICE
    n_blocks = e_s // BLK
    epw = e_s // _NW
    n_chunks = epw // CHUNK

    idx_i = idx_i.astype(jnp.int32)
    idx_j = idx_j.astype(jnp.int32)
    n_pad = ((n + WWIN - 1) // WWIN) * WWIN

    first = idx_i[0::BLK]
    last = idx_i[BLK - 1::BLK]
    wfirst = first // WWIN
    ws = wfirst * WWIN
    nw = last // WWIN - wfirst + 1

    idx3_i = idx_i.reshape(e // BLK, 1, BLK)
    idx3_j = idx_j.reshape(NSLICE * _NW, n_chunks, CHUNK)
    rcut2 = rcut_ij.reshape(e, 1)
    b_f1r = b_f1.reshape(1, f)
    b_f2r = b_f2.reshape(1, f)
    b_o1r = b_o1.reshape(1, d)
    b_o2r = b_o2.reshape(1, d)

    h = _in2f(x, W_in2f, NROW)
    conv = jnp.zeros((n_pad, f), jnp.float32)
    x_js = [_gather_slice(h, idx3_j, s, e_s, n_chunks, CHUNK)
            for s in range(NSLICE)]
    for s in range(NSLICE):
        conv = _conv_slice(conv, f_ij, x_js[s], idx3_i, rcut2, ws, nw,
                           W_f1, b_f1r, W_f2, b_f2r, s, n_blocks, BLK, WWIN)
    out = _f2out(conv, n, W_o1, b_o1r, W_o2, b_o2r, NROW)
    return out

# --- scband reference (transcript-rebuilt; emitter-appended) ---
"""Pipeline reference for scband-pbgnn-16758962389038 (READ-ONLY COPY).

The authoritative reference and input builder live on the scoring server;
editing this copy changes nothing except your own understanding.
"""

import jax, jax.numpy as jnp
import numpy as np

LOG2 = float(np.log(2.0))

def shifted_softplus(x):
    return jax.nn.softplus(x) - LOG2

def _glorot(k, shape):
    fan_in, fan_out = shape
    lim = np.sqrt(6.0 / (fan_in + fan_out))
    return jax.random.uniform(k, shape, jnp.float32, -lim, lim)

def setup_inputs(seed: int = 0) -> dict:
    key = jax.random.key(seed)
    ks = jax.random.split(key, 16)
    N, E, D, R, F = 10000, 320000, 128, 50, 128
    x = jax.random.normal(ks[0], (N, D), jnp.float32)
    f_ij = jax.random.uniform(ks[1], (E, R), jnp.float32)
    idx_i = jnp.sort(jax.random.randint(ks[2], (E,), 0, N, dtype=jnp.int64))
    idx_j = jax.random.randint(ks[3], (E,), 0, N, dtype=jnp.int64)
    rcut_ij = jax.random.uniform(ks[4], (E,), jnp.float32)
    W_in2f = _glorot(ks[5], (D, F))
    W_f1 = _glorot(ks[6], (R, F)); b_f1 = jnp.zeros((F,), jnp.float32)
    W_f2 = _glorot(ks[7], (F, F)); b_f2 = jnp.zeros((F,), jnp.float32)
    W_o1 = _glorot(ks[8], (F, D)); b_o1 = jnp.zeros((D,), jnp.float32)
    W_o2 = _glorot(ks[9], (D, D)); b_o2 = jnp.zeros((D,), jnp.float32)
    return {"x": x, "f_ij": f_ij, "idx_i": idx_i, "idx_j": idx_j, "rcut_ij": rcut_ij,
            "W_in2f": W_in2f, "W_f1": W_f1, "b_f1": b_f1, "W_f2": W_f2, "b_f2": b_f2,
            "W_o1": W_o1, "b_o1": b_o1, "W_o2": W_o2, "b_o2": b_o2}

def reference(x, f_ij, idx_i, idx_j, rcut_ij, W_in2f, W_f1, b_f1, W_f2, b_f2, W_o1, b_o1, W_o2, b_o2):
    # in2f: Dense(n_atom_basis -> n_filters, bias=False, no activation)
    h = x @ W_in2f
    # filter_network: Dense(n_rbf -> n_filters, ssp) -> Dense(n_filters -> n_filters)
    Wij = shifted_softplus(f_ij @ W_f1 + b_f1) @ W_f2 + b_f2
    Wij = Wij * rcut_ij[:, None]
    # continuous-filter convolution: gather neighbors, modulate, scatter-add to centers
    x_j = jnp.take(h, idx_j, axis=0)
    x_ij = x_j * Wij
    conv = jnp.zeros_like(h).at[idx_i].add(x_ij)
    # f2out: Dense(n_filters -> n_atom_basis, ssp) -> Dense(n_atom_basis -> n_atom_basis)
    out = shifted_softplus(conv @ W_o1 + b_o1) @ W_o2 + b_o2
    return out

if __name__ == "__main__":
    import jax
    _d = setup_inputs()
    print(jax.jit(kernel)(*tuple(_d.values())))

</pallas_src>

<mosaic_0001>
#map = affine_map<(d0, d1) -> (0, 0)>
#map1 = affine_map<(d0, d1) -> (0, 0, 0)>
module attributes {stable_mosaic.version = 14 : i64} {
  func.func @gather_k(%arg0: i32, %arg1: i32, %arg2: memref<10000x128xf32, #tpu.memory_space<hbm>>, %arg3: memref<32x125x80xi32, #tpu.memory_space<hbm>>, %arg4: memref<320000x128xf32, #tpu.memory_space<hbm>>, %arg5: memref<125x80xi32, #tpu.memory_space<vmem>>, %arg6: memref<80x128xf32, #tpu.memory_space<vmem>>, %arg7: memref<!tpu.dma_semaphore, #tpu.memory_space<semaphore_mem>>) attributes {dimension_semantics = [#tpu.dimension_semantics<core_parallel>, #tpu.dimension_semantics<subcore_parallel>], iteration_bounds = array<i64: 2, 16>, scalar_prefetch = 0 : i64, scratch_operands = 3 : i64, tpu.core_type = #tpu.core_type<sc_vector_subcore>, window_params = [{transform_indices = #map}, {transform_indices = #map1}, {transform_indices = #map}]} {
    %mul3A = arith.constant 2 : i32
    %mul3A_0 = arith.muli %arg1, %mul3A : i32
    %add3A = arith.addi %mul3A_0, %arg0 : i32
    %mul3A_1 = arith.constant 10000 : i32
    %mul3A_2 = arith.muli %add3A, %mul3A_1 : i32
    %add3A_3 = arith.constant 0 : i32
    %add3A_4 = arith.addi %add3A_3, %add3A : i32
    "tpu.region"() ({
      %run_scoped3A = tpu.sem_alloc : memref<!tpu.dma_semaphore, #tpu.memory_space<semaphore_mem>>
      %dma_start3A = arith.constant 0 : i32
      %dma_start3A_10 = arith.constant 0 : i32
      %dma_start3A_11 = tpu.memref_slice %arg3[%add3A_4, %dma_start3A, %dma_start3A_10] : memref<32x125x80xi32, #tpu.memory_space<hbm>> -> memref<1x125x80xi32, #tpu.memory_space<hbm>>
      %dma_start3A_12 = tpu.memref_squeeze %dma_start3A_11 : memref<1x125x80xi32, #tpu.memory_space<hbm>> -> memref<125x80xi32, #tpu.memory_space<hbm>>
      %dma_start3A_13 = arith.constant 0 : i32
      %dma_start3A_14 = arith.constant 0 : i32
      %dma_start3A_15 = tpu.memref_slice %arg3[%add3A_4, %dma_start3A_13, %dma_start3A_14] : memref<32x125x80xi32, #tpu.memory_space<hbm>> -> memref<1x125x80xi32, #tpu.memory_space<hbm>>
      %dma_start3A_16 = tpu.memref_squeeze %dma_start3A_15 : memref<1x125x80xi32, #tpu.memory_space<hbm>> -> memref<125x80xi32, #tpu.memory_space<hbm>>
      tpu.enqueue_dma source(%dma_start3A_16 : memref<125x80xi32, #tpu.memory_space<hbm>>) target(%arg5 : memref<125x80xi32, #tpu.memory_space<vmem>>) target_semaphore(%run_scoped3A : memref<!tpu.dma_semaphore, #tpu.memory_space<semaphore_mem>>)
      %dma_wait3A = arith.constant 0 : i32
      %dma_wait3A_17 = arith.constant 0 : i32
      %dma_wait3A_18 = tpu.memref_slice %arg3[%add3A_4, %dma_wait3A, %dma_wait3A_17] : memref<32x125x80xi32, #tpu.memory_space<hbm>> -> memref<1x125x80xi32, #tpu.memory_space<hbm>>
      %dma_wait3A_19 = tpu.memref_squeeze %dma_wait3A_18 : memref<1x125x80xi32, #tpu.memory_space<hbm>> -> memref<125x80xi32, #tpu.memory_space<hbm>>
      %dma_wait3A_20 = arith.constant 0 : i32
      %dma_wait3A_21 = arith.constant 0 : i32
      %dma_wait3A_22 = tpu.memref_slice %arg3[%add3A_4, %dma_wait3A_20, %dma_wait3A_21] : memref<32x125x80xi32, #tpu.memory_space<hbm>> -> memref<1x125x80xi32, #tpu.memory_space<hbm>>
      %dma_wait3A_23 = tpu.memref_squeeze %dma_wait3A_22 : memref<1x125x80xi32, #tpu.memory_space<hbm>> -> memref<125x80xi32, #tpu.memory_space<hbm>>
      tpu.wait_dma2 semaphore(%run_scoped3A : memref<!tpu.dma_semaphore, #tpu.memory_space<semaphore_mem>>) src(%dma_wait3A_23 : memref<125x80xi32, #tpu.memory_space<hbm>>) dst(%arg5 : memref<125x80xi32, #tpu.memory_space<vmem>>)
      tpu.yield
    }) : () -> ()
    %scan3A = arith.constant 0 : i32
    %scan3A_5 = arith.constant 0 : i32
    %scan3A_6 = arith.constant 125 : i32
    %scan3A_7 = arith.addi %scan3A_5, %scan3A_6 : i32
    %scan3A_8 = arith.constant 1 : i32
    scf.for %scan3A_10 = %scan3A_5 to %scan3A_7 step %scan3A_8  : i32 {
      %dma_start3A = arith.constant 0 : i32
      %dma_start3A_11 = tpu.memref_slice %arg5[%scan3A_10, %dma_start3A] : memref<125x80xi32, #tpu.memory_space<vmem>> -> memref<1x80xi32, #tpu.memory_space<vmem>>
      %dma_start3A_12 = tpu.memref_squeeze %dma_start3A_11 : memref<1x80xi32, #tpu.memory_space<vmem>> -> memref<80xi32, #tpu.memory_space<vmem>>
      %dma_start3A_13 = arith.constant 0 : i32
      %dma_start3A_14 = arith.constant 0 : i32
      %dma_start3A_15 = tpu.memref_slice %arg2[%dma_start3A_13, %dma_start3A_14] : memref<10000x128xf32, #tpu.memory_space<hbm>> -> memref<10000x128xf32, #tpu.memory_space<hbm>>
      tpu.enqueue_indirect_dma source(%dma_start3A_15 : memref<10000x128xf32, #tpu.memory_space<hbm>>) target(%arg6 : memref<80x128xf32, #tpu.memory_space<vmem>>) offsets(%dma_start3A_12 : memref<80xi32, #tpu.memory_space<vmem>>) semaphore(%arg7 : memref<!tpu.dma_semaphore, #tpu.memory_space<semaphore_mem>>)
      %dma_wait3A = arith.constant 0 : i32
      %dma_wait3A_16 = tpu.memref_slice %arg5[%scan3A_10, %dma_wait3A] : memref<125x80xi32, #tpu.memory_space<vmem>> -> memref<1x80xi32, #tpu.memory_space<vmem>>
      %dma_wait3A_17 = tpu.memref_squeeze %dma_wait3A_16 : memref<1x80xi32, #tpu.memory_space<vmem>> -> memref<80xi32, #tpu.memory_space<vmem>>
      %dma_wait3A_18 = arith.constant 0 : i32
      %dma_wait3A_19 = arith.constant 0 : i32
      %dma_wait3A_20 = tpu.memref_slice %arg2[%dma_wait3A_18, %dma_wait3A_19] : memref<10000x128xf32, #tpu.memory_space<hbm>> -> memref<10000x128xf32, #tpu.memory_space<hbm>>
      tpu.wait_indirect_dma semaphore(%arg7 : memref<!tpu.dma_semaphore, #tpu.memory_space<semaphore_mem>>) src(%dma_wait3A_20 : memref<10000x128xf32, #tpu.memory_space<hbm>>) dst(%arg6 : memref<80x128xf32, #tpu.memory_space<vmem>>)
      %mul3A_21 = arith.constant 80 : i32
      %mul3A_22 = arith.muli %scan3A_10, %mul3A_21 : i32
      %add3A_23 = arith.addi %mul3A_2, %mul3A_22 : i32
      "tpu.region"() ({
        %run_scoped3A = tpu.sem_alloc : memref<!tpu.dma_semaphore, #tpu.memory_space<semaphore_mem>>
        %dma_start3A_24 = arith.constant 0 : i32
        %dma_start3A_25 = tpu.memref_slice %arg4[%add3A_23, %dma_start3A_24] : memref<320000x128xf32, #tpu.memory_space<hbm>> -> memref<80x128xf32, #tpu.memory_space<hbm>>
        %dma_start3A_26 = arith.constant 0 : i32
        %dma_start3A_27 = tpu.memref_slice %arg4[%add3A_23, %dma_start3A_26] : memref<320000x128xf32, #tpu.memory_space<hbm>> -> memref<80x128xf32, #tpu.memory_space<hbm>>
        tpu.enqueue_dma source(%arg6 : memref<80x128xf32, #tpu.memory_space<vmem>>) target(%dma_start3A_27 : memref<80x128xf32, #tpu.memory_space<hbm>>) target_semaphore(%run_scoped3A : memref<!tpu.dma_semaphore, #tpu.memory_space<semaphore_mem>>)
        %dma_wait3A_28 = arith.constant 0 : i32
        %dma_wait3A_29 = tpu.memref_slice %arg4[%add3A_23, %dma_wait3A_28] : memref<320000x128xf32, #tpu.memory_space<hbm>> -> memref<80x128xf32, #tpu.memory_space<hbm>>
        %dma_wait3A_30 = arith.constant 0 : i32
        %dma_wait3A_31 = tpu.memref_slice %arg4[%add3A_23, %dma_wait3A_30] : memref<320000x128xf32, #tpu.memory_space<hbm>> -> memref<80x128xf32, #tpu.memory_space<hbm>>
        tpu.wait_dma2 semaphore(%run_scoped3A : memref<!tpu.dma_semaphore, #tpu.memory_space<semaphore_mem>>) src(%arg6 : memref<80x128xf32, #tpu.memory_space<vmem>>) dst(%dma_wait3A_31 : memref<80x128xf32, #tpu.memory_space<hbm>>)
        tpu.yield
      }) : () -> ()
    }
    %scan3A_9 = arith.constant 125 : i32
    return
  }
}

module attributes {stable_mosaic.version = 14 : i64} {
  func.func @_in2f_body(%arg0: i32, %arg1: memref<1000x128xf32, #tpu.memory_space<vmem>>, %arg2: memref<128x128xf32, #tpu.memory_space<vmem>>, %arg3: memref<1000x128xf32, #tpu.memory_space<vmem>>) attributes {dimension_semantics = [#tpu.dimension_semantics<arbitrary>], iteration_bounds = array<i64: 10>, scalar_prefetch = 0 : i64, scratch_operands = 0 : i64, tpu.core_type = #tpu.core_type<tc>, window_params = [{transform_indices = @transform_0, window_bounds = array<i64: 1000, 128>}, {pipeline_mode = #tpu.pipeline_mode<synchronous>, transform_indices = @transform_1, window_bounds = array<i64: 128, 128>}, {transform_indices = @transform_2, window_bounds = array<i64: 1000, 128>}]} {
    %get3A = arith.constant 0 : index
    %get3A_0 = arith.constant 0 : index
    %get3A_1 = vector.load %arg1[%get3A, %get3A_0] : memref<1000x128xf32, #tpu.memory_space<vmem>>, vector<1000x128xf32>
    %get3A_2 = arith.constant 0 : index
    %get3A_3 = arith.constant 0 : index
    %get3A_4 = vector.load %arg2[%get3A_2, %get3A_3] : memref<128x128xf32, #tpu.memory_space<vmem>>, vector<128x128xf32>
    %dot_general3A = arith.constant dense<0.000000e+00> : vector<1000x128xf32>
    %dot_general3A_5 = tpu.matmul %get3A_1, %get3A_4, %dot_general3A {dimension_numbers = #tpu.dot_dimension_numbers<[1], [0], [0], [1], [0, 0, 1, 1], [], []>, transpose_lhs_hint = false} : vector<1000x128xf32>, vector<128x128xf32>, vector<1000x128xf32> -> vector<1000x128xf32>
    %swap3A = arith.constant 0 : index
    %swap3A_6 = arith.constant 0 : index
    %swap3A_7 = vector.load %arg3[%swap3A, %swap3A_6] : memref<1000x128xf32, #tpu.memory_space<vmem>>, vector<1000x128xf32>
    tpu.vector_store %arg3[%swap3A, %swap3A_6], %dot_general3A_5 {strides = array<i32>} : memref<1000x128xf32, #tpu.memory_space<vmem>>, vector<1000x128xf32>,
    return
  }
  func.func @transform_0(%arg0: i32) -> (i32, i32) {
    %c0_i32 = arith.constant 0 : i32
    %c0_i32_0 = arith.constant 0 : i32
    return %arg0, %c0_i32 : i32, i32
  }
  func.func @transform_1(%arg0: i32) -> (i32, i32) {
    %c0_i32 = arith.constant 0 : i32
    %c0_i32_0 = arith.constant 0 : i32
    %c0_i32_1 = arith.constant 0 : i32
    return %c0_i32, %c0_i32_0 : i32, i32
  }
  func.func @transform_2(%arg0: i32) -> (i32, i32) {
    %c0_i32 = arith.constant 0 : i32
    %c0_i32_0 = arith.constant 0 : i32
    return %arg0, %c0_i32 : i32, i32
  }
}

module attributes {stable_mosaic.version = 14 : i64} {
  func.func @_conv_body(%arg0: i32, %arg1: memref<50xi32, #tpu.memory_space<smem>>, %arg2: memref<50xi32, #tpu.memory_space<smem>>, %arg3: memref<10112x128xf32, #tpu.memory_space<vmem>>, %arg4: memref<6400x50xf32, #tpu.memory_space<vmem>>, %arg5: memref<6400x128xf32, #tpu.memory_space<vmem>>, %arg6: memref<1x1x6400xi32, #tpu.memory_space<vmem>>, %arg7: memref<6400x1xf32, #tpu.memory_space<vmem>>, %arg8: memref<50x128xf32, #tpu.memory_space<vmem>>, %arg9: memref<1x128xf32, #tpu.memory_space<vmem>>, %arg10: memref<128x128xf32, #tpu.memory_space<vmem>>, %arg11: memref<1x128xf32, #tpu.memory_space<vmem>>, %arg12: memref<10112x128xf32, #tpu.memory_space<vmem>>) attributes {dimension_semantics = [#tpu.dimension_semantics<arbitrary>], iteration_bounds = array<i64: 50>, scalar_prefetch = 2 : i64, scratch_operands = 0 : i64, tpu.core_type = #tpu.core_type<tc>, window_params = [{pipeline_mode = #tpu.pipeline_mode<synchronous>, transform_indices = @transform_0, window_bounds = array<i64: 10112, 128>}, {transform_indices = @transform_1, window_bounds = array<i64: 6400, 50>}, {transform_indices = @transform_2, window_bounds = array<i64: 6400, 128>}, {transform_indices = @transform_3, window_bounds = array<i64: 1, 1, 6400>}, {transform_indices = @transform_4, window_bounds = array<i64: 6400, 1>}, {pipeline_mode = #tpu.pipeline_mode<synchronous>, transform_indices = @transform_5, window_bounds = array<i64: 50, 128>}, {pipeline_mode = #tpu.pipeline_mode<synchronous>, transform_indices = @transform_6, window_bounds = array<i64: 1, 128>}, {pipeline_mode = #tpu.pipeline_mode<synchronous>, transform_indices = @transform_7, window_bounds = array<i64: 128, 128>}, {pipeline_mode = #tpu.pipeline_mode<synchronous>, transform_indices = @transform_8, window_bounds = array<i64: 1, 128>}, {pipeline_mode = #tpu.pipeline_mode<synchronous>, transform_indices = @transform_9, window_bounds = array<i64: 10112, 128>}]} {
    %eq3A = arith.constant 0 : i32
    %eq3A_0 = arith.cmpi eq, %arg0, %eq3A : i32
    %convert_element_type3A = arith.extui %eq3A_0 : i1 to i32
    %cond3A = arith.constant 0 : i32
    %cond3A_1 = arith.cmpi ne, %convert_element_type3A, %cond3A : i32
    scf.if %cond3A_1 {
      %get3A_62 = arith.constant 0 : index
      %get3A_63 = arith.constant 0 : index
      %get3A_64 = vector.load %arg3[%get3A_62, %get3A_63] : memref<10112x128xf32, #tpu.memory_space<vmem>>, vector<10112x128xf32>
      %swap3A = arith.constant 0 : index
      %swap3A_65 = arith.constant 0 : index
      %swap3A_66 = vector.load %arg12[%swap3A, %swap3A_65] : memref<10112x128xf32, #tpu.memory_space<vmem>>, vector<10112x128xf32>
      tpu.vector_store %arg12[%swap3A, %swap3A_65], %get3A_64 {strides = array<i32>} : memref<10112x128xf32, #tpu.memory_space<vmem>>, vector<10112x128xf32>,
    } else {
    }
    %get3A = arith.constant 0 : index
    %get3A_2 = arith.constant 0 : index
    %get3A_3 = vector.load %arg4[%get3A, %get3A_2] : memref<6400x50xf32, #tpu.memory_space<vmem>>, vector<6400x50xf32>
    %get3A_4 = arith.constant 0 : index
    %get3A_5 = arith.constant 0 : index
    %get3A_6 = vector.load %arg8[%get3A_4, %get3A_5] : memref<50x128xf32, #tpu.memory_space<vmem>>, vector<50x128xf32>
    %dot_general3A = arith.constant dense<0.000000e+00> : vector<6400x128xf32>
    %dot_general3A_7 = tpu.matmul %get3A_3, %get3A_6, %dot_general3A {dimension_numbers = #tpu.dot_dimension_numbers<[1], [0], [0], [1], [0, 0, 1, 1], [], []>, transpose_lhs_hint = false} : vector<6400x50xf32>, vector<50x128xf32>, vector<6400x128xf32> -> vector<6400x128xf32>
    %get3A_8 = arith.constant 0 : index
    %get3A_9 = arith.constant 0 : index
    %get3A_10 = vector.load %arg9[%get3A_8, %get3A_9] : memref<1x128xf32, #tpu.memory_space<vmem>>, vector<1x128xf32>
    %add3A = vector.broadcast %get3A_10 : vector<1x128xf32> to vector<6400x128xf32>
    %add3A_11 = arith.addf %dot_general3A_7, %add3A : vector<6400x128xf32>
    %custom_jvp_call3A = arith.constant 0.000000e+00 : f32
    %max3A = vector.broadcast %custom_jvp_call3A : f32 to vector<6400x128xf32>
    %max3A_12 = arith.maximumf %add3A_11, %max3A : vector<6400x128xf32>
    %sub3A = vector.broadcast %custom_jvp_call3A : f32 to vector<6400x128xf32>
    %sub3A_13 = arith.subf %add3A_11, %sub3A : vector<6400x128xf32>
    %ne3A = arith.cmpf one, %sub3A_13, %sub3A_13 : vector<6400x128xf32>
    %add3A_14 = vector.broadcast %custom_jvp_call3A : f32 to vector<6400x128xf32>
    %add3A_15 = arith.addf %add3A_11, %add3A_14 : vector<6400x128xf32>
    %abs3A = math.absf %sub3A_13 : vector<6400x128xf32>
    %neg3A = arith.constant 0.000000e+00 : f32
    %neg3A_16 = vector.broadcast %neg3A : f32 to vector<6400x128xf32>
    %neg3A_17 = arith.subf %neg3A_16, %abs3A : vector<6400x128xf32>
    %exp3A = math.exp %neg3A_17 : vector<6400x128xf32>
    %log1p3A = math.log1p %exp3A : vector<6400x128xf32>
    %add3A_18 = arith.addf %max3A_12, %log1p3A : vector<6400x128xf32>
    %select_n3A = arith.select %ne3A, %add3A_15, %add3A_18 : vector<6400x128xi1>, vector<6400x128xf32>
    %sub3A_19 = arith.constant 0.693147182 : f32
    %sub3A_20 = vector.broadcast %sub3A_19 : f32 to vector<6400x128xf32>
    %sub3A_21 = arith.subf %select_n3A, %sub3A_20 : vector<6400x128xf32>
    %get3A_22 = arith.constant 0 : index
    %get3A_23 = arith.constant 0 : index
    %get3A_24 = vector.load %arg10[%get3A_22, %get3A_23] : memref<128x128xf32, #tpu.memory_space<vmem>>, vector<128x128xf32>
    %dot_general3A_25 = arith.constant dense<0.000000e+00> : vector<6400x128xf32>
    %dot_general3A_26 = tpu.matmul %sub3A_21, %get3A_24, %dot_general3A_25 {dimension_numbers = #tpu.dot_dimension_numbers<[1], [0], [0], [1], [0, 0, 1, 1], [], []>, transpose_lhs_hint = false} : vector<6400x128xf32>, vector<128x128xf32>, vector<6400x128xf32> -> vector<6400x128xf32>
    %get3A_27 = arith.constant 0 : index
    %get3A_28 = arith.constant 0 : index
    %get3A_29 = vector.load %arg11[%get3A_27, %get3A_28] : memref<1x128xf32, #tpu.memory_space<vmem>>, vector<1x128xf32>
    %add3A_30 = vector.broadcast %get3A_29 : vector<1x128xf32> to vector<6400x128xf32>
    %add3A_31 = arith.addf %dot_general3A_26, %add3A_30 : vector<6400x128xf32>
    %get3A_32 = arith.constant 0 : index
    %get3A_33 = arith.constant 0 : index
    %get3A_34 = vector.load %arg5[%get3A_32, %get3A_33] : memref<6400x128xf32, #tpu.memory_space<vmem>>, vector<6400x128xf32>
    %mul3A = arith.mulf %get3A_34, %add3A_31 : vector<6400x128xf32>
    %get3A_35 = arith.constant 0 : index
    %get3A_36 = arith.constant 0 : index
    %get3A_37 = vector.load %arg7[%get3A_35, %get3A_36] : memref<6400x1xf32, #tpu.memory_space<vmem>>, vector<6400x1xf32>
    %mul3A_38 = vector.broadcast %get3A_37 : vector<6400x1xf32> to vector<6400x128xf32>
    %mul3A_39 = arith.mulf %mul3A, %mul3A_38 : vector<6400x128xf32>
    %get3A_40 = arith.constant 0 : index
    %get3A_41 = arith.constant 0 : index
    %get3A_42 = arith.constant 0 : index
    %get3A_43 = vector.load %arg6[%get3A_40, %get3A_41, %get3A_42] : memref<1x1x6400xi32, #tpu.memory_space<vmem>>, vector<1x1x6400xi32>
    %get3A_44 = vector.shape_cast %get3A_43 : vector<1x1x6400xi32> to vector<1x6400xi32>
    %add3A_45 = arith.constant 0 : i32
    %add3A_46 = arith.addi %add3A_45, %arg0 : i32
    %get3A_47 = arith.index_cast %add3A_46 : i32 to index
    %get3A_48 = memref.load %arg1[%get3A_47] : memref<50xi32, #tpu.memory_space<smem>>
    %add3A_49 = arith.constant 0 : i32
    %add3A_50 = arith.addi %add3A_49, %arg0 : i32
    %get3A_51 = arith.index_cast %add3A_50 : i32 to index
    %get3A_52 = memref.load %arg2[%get3A_51] : memref<50xi32, #tpu.memory_space<smem>>
    %while3A = arith.constant 0 : i32
    %while3A_53 = arith.constant 0 : i32
    %while3A_54 = arith.subi %get3A_52, %while3A_53 : i32
    %while3A_55 = arith.addi %while3A_53, %while3A_54 : i32
    %while3A_56 = arith.constant 1 : i32
    %while3A_57 = arith.divsi %while3A_54, %while3A_56 : i32
    %while3A_58 = arith.muli %while3A_57, %while3A_56 : i32
    %while3A_59 = arith.addi %while3A_53, %while3A_58 : i32
    %while3A_60 = arith.constant 1 : i32
    scf.for %while3A_62 = %while3A_53 to %while3A_59 step %while3A_60  : i32 {
      %mul3A_63 = arith.constant 128 : i32
      %mul3A_64 = arith.muli %while3A_62, %mul3A_63 : i32
      %add3A_65 = arith.addi %get3A_48, %mul3A_64 : i32
      %sub3A_66 = vector.broadcast %add3A_65 : i32 to vector<1x6400xi32>
      %sub3A_67 = arith.subi %get3A_44, %sub3A_66 : vector<1x6400xi32>
      %iota3A = tpu.iota {dimensions = array<i32: 0>} : vector<128x6400xi32>
      %eq3A_68 = vector.broadcast %sub3A_67 : vector<1x6400xi32> to vector<128x6400xi32>
      %eq3A_69 = arith.cmpi eq, %iota3A, %eq3A_68 : vector<128x6400xi32>
      %convert_element_type3A_70 = arith.extui %eq3A_69 : vector<128x6400xi1> to vector<128x6400xi32>
      %convert_element_type3A_71 = arith.sitofp %convert_element_type3A_70 : vector<128x6400xi32> to vector<128x6400xf32>
      %dot_general3A_72 = arith.constant dense<0.000000e+00> : vector<128x128xf32>
      %dot_general3A_73 = tpu.matmul %convert_element_type3A_71, %mul3A_39, %dot_general3A_72 {dimension_numbers = #tpu.dot_dimension_numbers<[1], [0], [0], [1], [0, 0, 1, 1], [], []>, transpose_lhs_hint = false} : vector<128x6400xf32>, vector<6400x128xf32>, vector<128x128xf32> -> vector<128x128xf32>
      %get3A_74 = arith.index_cast %add3A_65 : i32 to index
      %get3A_75 = arith.constant 0 : index
      %get3A_76 = vector.load %arg12[%get3A_74, %get3A_75] : memref<10112x128xf32, #tpu.memory_space<vmem>>, vector<128x128xf32>
      %add3A_77 = arith.addf %get3A_76, %dot_general3A_73 : vector<128x128xf32>
      %swap3A = arith.index_cast %add3A_65 : i32 to index
      %swap3A_78 = arith.constant 0 : index
      %swap3A_79 = vector.load %arg12[%swap3A, %swap3A_78] : memref<10112x128xf32, #tpu.memory_space<vmem>>, vector<128x128xf32>
      tpu.vector_store %arg12[%swap3A, %swap3A_78], %add3A_77 {strides = array<i32>} : memref<10112x128xf32, #tpu.memory_space<vmem>>, vector<128x128xf32>,
    }
    %while3A_61 = arith.constant 1 : i32
    scf.for %while3A_62 = %while3A_59 to %while3A_55 step %while3A_61  : i32 {
      %mul3A_63 = arith.constant 128 : i32
      %mul3A_64 = arith.muli %while3A_62, %mul3A_63 : i32
      %add3A_65 = arith.addi %get3A_48, %mul3A_64 : i32
      %sub3A_66 = vector.broadcast %add3A_65 : i32 to vector<1x6400xi32>
      %sub3A_67 = arith.subi %get3A_44, %sub3A_66 : vector<1x6400xi32>
      %iota3A = tpu.iota {dimensions = array<i32: 0>} : vector<128x6400xi32>
      %eq3A_68 = vector.broadcast %sub3A_67 : vector<1x6400xi32> to vector<128x6400xi32>
      %eq3A_69 = arith.cmpi eq, %iota3A, %eq3A_68 : vector<128x6400xi32>
      %convert_element_type3A_70 = arith.extui %eq3A_69 : vector<128x6400xi1> to vector<128x6400xi32>
      %convert_element_type3A_71 = arith.sitofp %convert_element_type3A_70 : vector<128x6400xi32> to vector<128x6400xf32>
      %dot_general3A_72 = arith.constant dense<0.000000e+00> : vector<128x128xf32>
      %dot_general3A_73 = tpu.matmul %convert_element_type3A_71, %mul3A_39, %dot_general3A_72 {dimension_numbers = #tpu.dot_dimension_numbers<[1], [0], [0], [1], [0, 0, 1, 1], [], []>, transpose_lhs_hint = false} : vector<128x6400xf32>, vector<6400x128xf32>, vector<128x128xf32> -> vector<128x128xf32>
      %get3A_74 = arith.index_cast %add3A_65 : i32 to index
      %get3A_75 = arith.constant 0 : index
      %get3A_76 = vector.load %arg12[%get3A_74, %get3A_75] : memref<10112x128xf32, #tpu.memory_space<vmem>>, vector<128x128xf32>
      %add3A_77 = arith.addf %get3A_76, %dot_general3A_73 : vector<128x128xf32>
      %swap3A = arith.index_cast %add3A_65 : i32 to index
      %swap3A_78 = arith.constant 0 : index
      %swap3A_79 = vector.load %arg12[%swap3A, %swap3A_78] : memref<10112x128xf32, #tpu.memory_space<vmem>>, vector<128x128xf32>
      tpu.vector_store %arg12[%swap3A, %swap3A_78], %add3A_77 {strides = array<i32>} : memref<10112x128xf32, #tpu.memory_space<vmem>>, vector<128x128xf32>,
    }
    return
  }
  func.func @transform_0(%arg0: i32, %arg1: memref<50xi32, #tpu.memory_space<smem>>, %arg2: memref<50xi32, #tpu.memory_space<smem>>) -> (i32, i32) {
    %c0_i32 = arith.constant 0 : i32
    %c0_i32_0 = arith.constant 0 : i32
    %c0_i32_1 = arith.constant 0 : i32
    return %c0_i32, %c0_i32_0 : i32, i32
  }
  func.func @transform_1(%arg0: i32, %arg1: memref<50xi32, #tpu.memory_space<smem>>, %arg2: memref<50xi32, #tpu.memory_space<smem>>) -> (i32, i32) {
    %add3A = arith.constant 0 : i32
    %add3A_0 = arith.addi %add3A, %arg0 : i32
    %c0_i32 = arith.constant 0 : i32
    %c0_i32_1 = arith.constant 0 : i32
    return %add3A_0, %c0_i32 : i32, i32
  }
  func.func @transform_2(%arg0: i32, %arg1: memref<50xi32, #tpu.memory_space<smem>>, %arg2: memref<50xi32, #tpu.memory_space<smem>>) -> (i32, i32) {
    %c0_i32 = arith.constant 0 : i32
    %c0_i32_0 = arith.constant 0 : i32
    return %arg0, %c0_i32 : i32, i32
  }
  func.func @transform_3(%arg0: i32, %arg1: memref<50xi32, #tpu.memory_space<smem>>, %arg2: memref<50xi32, #tpu.memory_space<smem>>) -> (i32, i32, i32) {
    %add3A = arith.constant 0 : i32
    %add3A_0 = arith.addi %add3A, %arg0 : i32
    %c0_i32 = arith.constant 0 : i32
    %c0_i32_1 = arith.constant 0 : i32
    %c0_i32_2 = arith.constant 0 : i32
    return %add3A_0, %c0_i32, %c0_i32_1 : i32, i32, i32
  }
  func.func @transform_4(%arg0: i32, %arg1: memref<50xi32, #tpu.memory_space<smem>>, %arg2: memref<50xi32, #tpu.memory_space<smem>>) -> (i32, i32) {
    %add3A = arith.constant 0 : i32
    %add3A_0 = arith.addi %add3A, %arg0 : i32
    %c0_i32 = arith.constant 0 : i32
    %c0_i32_1 = arith.constant 0 : i32
    return %add3A_0, %c0_i32 : i32, i32
  }
  func.func @transform_5(%arg0: i32, %arg1: memref<50xi32, #tpu.memory_space<smem>>, %arg2: memref<50xi32, #tpu.memory_space<smem>>) -> (i32, i32) {
    %c0_i32 = arith.constant 0 : i32
    %c0_i32_0 = arith.constant 0 : i32
    %c0_i32_1 = arith.constant 0 : i32
    return %c0_i32, %c0_i32_0 : i32, i32
  }
  func.func @transform_6(%arg0: i32, %arg1: memref<50xi32, #tpu.memory_space<smem>>, %arg2: memref<50xi32, #tpu.memory_space<smem>>) -> (i32, i32) {
    %c0_i32 = arith.constant 0 : i32
    %c0_i32_0 = arith.constant 0 : i32
    %c0_i32_1 = arith.constant 0 : i32
    return %c0_i32, %c0_i32_0 : i32, i32
  }
  func.func @transform_7(%arg0: i32, %arg1: memref<50xi32, #tpu.memory_space<smem>>, %arg2: memref<50xi32, #tpu.memory_space<smem>>) -> (i32, i32) {
    %c0_i32 = arith.constant 0 : i32
    %c0_i32_0 = arith.constant 0 : i32
    %c0_i32_1 = arith.constant 0 : i32
    return %c0_i32, %c0_i32_0 : i32, i32
  }
  func.func @transform_8(%arg0: i32, %arg1: memref<50xi32, #tpu.memory_space<smem>>, %arg2: memref<50xi32, #tpu.memory_space<smem>>) -> (i32, i32) {
    %c0_i32 = arith.constant 0 : i32
    %c0_i32_0 = arith.constant 0 : i32
    %c0_i32_1 = arith.constant 0 : i32
    return %c0_i32, %c0_i32_0 : i32, i32
  }
  func.func @transform_9(%arg0: i32, %arg1: memref<50xi32, #tpu.memory_space<smem>>, %arg2: memref<50xi32, #tpu.memory_space<smem>>) -> (i32, i32) {
    %c0_i32 = arith.constant 0 : i32
    %c0_i32_0 = arith.constant 0 : i32
    %c0_i32_1 = arith.constant 0 : i32
    return %c0_i32, %c0_i32_0 : i32, i32
  }
}

module attributes {stable_mosaic.version = 14 : i64} {
  func.func @_out_body(%arg0: i32, %arg1: memref<1000x128xf32, #tpu.memory_space<vmem>>, %arg2: memref<128x128xf32, #tpu.memory_space<vmem>>, %arg3: memref<1x128xf32, #tpu.memory_space<vmem>>, %arg4: memref<128x128xf32, #tpu.memory_space<vmem>>, %arg5: memref<1x128xf32, #tpu.memory_space<vmem>>, %arg6: memref<1000x128xf32, #tpu.memory_space<vmem>>) attributes {dimension_semantics = [#tpu.dimension_semantics<arbitrary>], iteration_bounds = array<i64: 10>, scalar_prefetch = 0 : i64, scratch_operands = 0 : i64, tpu.core_type = #tpu.core_type<tc>, window_params = [{transform_indices = @transform_0, window_bounds = array<i64: 1000, 128>}, {pipeline_mode = #tpu.pipeline_mode<synchronous>, transform_indices = @transform_1, window_bounds = array<i64: 128, 128>}, {pipeline_mode = #tpu.pipeline_mode<synchronous>, transform_indices = @transform_2, window_bounds = array<i64: 1, 128>}, {pipeline_mode = #tpu.pipeline_mode<synchronous>, transform_indices = @transform_3, window_bounds = array<i64: 128, 128>}, {pipeline_mode = #tpu.pipeline_mode<synchronous>, transform_indices = @transform_4, window_bounds = array<i64: 1, 128>}, {transform_indices = @transform_5, window_bounds = array<i64: 1000, 128>}]} {
    %get3A = arith.constant 0 : index
    %get3A_0 = arith.constant 0 : index
    %get3A_1 = vector.load %arg1[%get3A, %get3A_0] : memref<1000x128xf32, #tpu.memory_space<vmem>>, vector<1000x128xf32>
    %get3A_2 = arith.constant 0 : index
    %get3A_3 = arith.constant 0 : index
    %get3A_4 = vector.load %arg2[%get3A_2, %get3A_3] : memref<128x128xf32, #tpu.memory_space<vmem>>, vector<128x128xf32>
    %dot_general3A = arith.constant dense<0.000000e+00> : vector<1000x128xf32>
    %dot_general3A_5 = tpu.matmul %get3A_1, %get3A_4, %dot_general3A {dimension_numbers = #tpu.dot_dimension_numbers<[1], [0], [0], [1], [0, 0, 1, 1], [], []>, transpose_lhs_hint = false} : vector<1000x128xf32>, vector<128x128xf32>, vector<1000x128xf32> -> vector<1000x128xf32>
    %get3A_6 = arith.constant 0 : index
    %get3A_7 = arith.constant 0 : index
    %get3A_8 = vector.load %arg3[%get3A_6, %get3A_7] : memref<1x128xf32, #tpu.memory_space<vmem>>, vector<1x128xf32>
    %add3A = vector.broadcast %get3A_8 : vector<1x128xf32> to vector<1000x128xf32>
    %add3A_9 = arith.addf %dot_general3A_5, %add3A : vector<1000x128xf32>
    %custom_jvp_call3A = arith.constant 0.000000e+00 : f32
    %max3A = vector.broadcast %custom_jvp_call3A : f32 to vector<1000x128xf32>
    %max3A_10 = arith.maximumf %add3A_9, %max3A : vector<1000x128xf32>
    %sub3A = vector.broadcast %custom_jvp_call3A : f32 to vector<1000x128xf32>
    %sub3A_11 = arith.subf %add3A_9, %sub3A : vector<1000x128xf32>
    %ne3A = arith.cmpf one, %sub3A_11, %sub3A_11 : vector<1000x128xf32>
    %add3A_12 = vector.broadcast %custom_jvp_call3A : f32 to vector<1000x128xf32>
    %add3A_13 = arith.addf %add3A_9, %add3A_12 : vector<1000x128xf32>
    %abs3A = math.absf %sub3A_11 : vector<1000x128xf32>
    %neg3A = arith.constant 0.000000e+00 : f32
    %neg3A_14 = vector.broadcast %neg3A : f32 to vector<1000x128xf32>
    %neg3A_15 = arith.subf %neg3A_14, %abs3A : vector<1000x128xf32>
    %exp3A = math.exp %neg3A_15 : vector<1000x128xf32>
    %log1p3A = math.log1p %exp3A : vector<1000x128xf32>
    %add3A_16 = arith.addf %max3A_10, %log1p3A : vector<1000x128xf32>
    %select_n3A = arith.select %ne3A, %add3A_13, %add3A_16 : vector<1000x128xi1>, vector<1000x128xf32>
    %sub3A_17 = arith.constant 0.693147182 : f32
    %sub3A_18 = vector.broadcast %sub3A_17 : f32 to vector<1000x128xf32>
    %sub3A_19 = arith.subf %select_n3A, %sub3A_18 : vector<1000x128xf32>
    %get3A_20 = arith.constant 0 : index
    %get3A_21 = arith.constant 0 : index
    %get3A_22 = vector.load %arg4[%get3A_20, %get3A_21] : memref<128x128xf32, #tpu.memory_space<vmem>>, vector<128x128xf32>
    %dot_general3A_23 = arith.constant dense<0.000000e+00> : vector<1000x128xf32>
    %dot_general3A_24 = tpu.matmul %sub3A_19, %get3A_22, %dot_general3A_23 {dimension_numbers = #tpu.dot_dimension_numbers<[1], [0], [0], [1], [0, 0, 1, 1], [], []>, transpose_lhs_hint = false} : vector<1000x128xf32>, vector<128x128xf32>, vector<1000x128xf32> -> vector<1000x128xf32>
    %get3A_25 = arith.constant 0 : index
    %get3A_26 = arith.constant 0 : index
    %get3A_27 = vector.load %arg5[%get3A_25, %get3A_26] : memref<1x128xf32, #tpu.memory_space<vmem>>, vector<1x128xf32>
    %add3A_28 = vector.broadcast %get3A_27 : vector<1x128xf32> to vector<1000x128xf32>
    %add3A_29 = arith.addf %dot_general3A_24, %add3A_28 : vector<1000x128xf32>
    %swap3A = arith.constant 0 : index
    %swap3A_30 = arith.constant 0 : index
    %swap3A_31 = vector.load %arg6[%swap3A, %swap3A_30] : memref<1000x128xf32, #tpu.memory_space<vmem>>, vector<1000x128xf32>
    tpu.vector_store %arg6[%swap3A, %swap3A_30], %add3A_29 {strides = array<i32>} : memref<1000x128xf32, #tpu.memory_space<vmem>>, vector<1000x128xf32>,
    return
  }
  func.func @transform_0(%arg0: i32) -> (i32, i32) {
    %c0_i32 = arith.constant 0 : i32
    %c0_i32_0 = arith.constant 0 : i32
    return %arg0, %c0_i32 : i32, i32
  }
  func.func @transform_1(%arg0: i32) -> (i32, i32) {
    %c0_i32 = arith.constant 0 : i32
    %c0_i32_0 = arith.constant 0 : i32
    %c0_i32_1 = arith.constant 0 : i32
    return %c0_i32, %c0_i32_0 : i32, i32
  }
  func.func @transform_2(%arg0: i32) -> (i32, i32) {
    %c0_i32 = arith.constant 0 : i32
    %c0_i32_0 = arith.constant 0 : i32
    %c0_i32_1 = arith.constant 0 : i32
    return %c0_i32, %c0_i32_0 : i32, i32
  }
  func.func @transform_3(%arg0: i32) -> (i32, i32) {
    %c0_i32 = arith.constant 0 : i32
    %c0_i32_0 = arith.constant 0 : i32
    %c0_i32_1 = arith.constant 0 : i32
    return %c0_i32, %c0_i32_0 : i32, i32
  }
  func.func @transform_4(%arg0: i32) -> (i32, i32) {
    %c0_i32 = arith.constant 0 : i32
    %c0_i32_0 = arith.constant 0 : i32
    %c0_i32_1 = arith.constant 0 : i32
    return %c0_i32, %c0_i32_0 : i32, i32
  }
  func.func @transform_5(%arg0: i32) -> (i32, i32) {
    %c0_i32 = arith.constant 0 : i32
    %c0_i32_0 = arith.constant 0 : i32
    return %arg0, %c0_i32 : i32, i32
  }
}

</mosaic_0001>

<sc_bundles>
// kernel: kernel.6.cloned.1.call-start
scs
__scs_entry_jumppad:
0x0: {  	(pc) =	sbr.rel $0x88, $3  }
0x1: {  	(tag) =	ssettag $0x0;
	lr =	simm.s32 $0x1  }
0x2: {  	[smem:$0x3F93] =	sst lr;
	_ =	strace $0xD0000000  }
0x3: {  	_ = 	snop  }
0x4: {  	_ = 	snop  }
0x5: {  	_ = 	snop  }
0x6: {  	_ = 	snop  }
0x7: {  	_ = 	snop  }
__scs_overlays_trampoline_lowered:
0x8: {  	[smem:$0x3FA2] =	sst s0  }
0x9: {  	[smem:$0x3FA3] =	sst s1  }
0xa: {  	[smem:$0x3FA4] =	sst s2  }
0xb: {  	[smem:$0x3FA5] =	sst s3  }
0xc: {  	[smem:$0x3FA6] =	sst s4  }
0xd: {  	[smem:$0x3FA7] =	sst s5  }
0xe: {  	[smem:$0x3FA8] =	sst s6  }
0xf: {  	[smem:$0x3FA9] =	sst s7  }
0x10: {  	[smem:$0x3FAA] =	sst s8  }
0x11: {  	[smem:$0x3FAB] =	sst s9;
	s0 =	simm.s32 @!p0 $0x0  }
0x12: {  	s1 =	sld [smem:$0x3F91];
	s0 =	simm.s32 @p0 $0x1  }
0x13: {  	[smem:$0x3FAC] =	sst s0;
	s0 =	simm.s32 @!p1 $0x0  }
0x14: {  	s2 =	sld [smem:$0x3F90];
	s0 =	simm.s32 @p1 $0x1  }
0x15: {  	[smem:$0x3FAD] =	sst s0;
	s0 =	simm.s32 @!p2 $0x0  }
0x16: {  	s3 =	sld [smem:$0x3FDB];
	s0 =	simm.s32 @p2 $0x1  }
0x17: {  	s4 =	simm.s32 $0x1BF5;
	[smem:$0x3FAF] =	sst s0  }
0x18: {  	s0 =	sld [smem:$0x3F92];
	_ =	swait.ge [sflag:s4], $0x0  }
0x19: {  	s7 =	sld [smem:$0x3F93]  }
0x1a: {  	s8 =	sadd.s32 $0xFFFFE003, lr  }
0x1b: {  	s9 =	sadd.s32 $0xFFFFFEF7, lr;
	s5 =	simm.s32 $0xFFFFFFFF;
	p2 =	slt.u32 s8, $0xFFFFF086  }
0x1c: {  	p1 =	slt.u32 s9, $0xF7A;
	s5 =	simm.s32 @!p2 $0x0  }
0x1d: {  	s5 =	simm.s32 @p1 $0x1;
	p0 =	seq.s32 s7, s2  }
0x1e: {  	s7 =	smul.u32 @!p0 $0xF7A, s2;
	p2 =	seq.s32 @!p0 s5, $0x0  }
0x1f: {  	s9 =	smul.u32 $0xF7A, s1;
	s8 =	simm.s32 @!p0 $0x1BF5;
	p2 =	por !p2, p0  }
0x20: {  	[sflag:s8] =	ssyncset.s32 @!p0 $0xFFFFF086;
	s6 =	sadd.s32 @!p0 s3, s7;
	s7 =	simm.s32 @!p0 $0x108  }
0x21: {  	s3 =	sadd.s32 s3, s9;
	s6 =	sadd.s32 @!p0 $0x88, s6;
	s7 =	simm.s32 @p2 $0x1082  }
0x22: {  	[simem:s7], [sflag:s8] =	dma.local @!p0 [hbm:s6], $0xF7A  }
0x23: {  	s9 =	sor.u32 $0xD0000000, s2;
	s6 =	simm.s32 $0x108;
	_ =	swait.ge @!p0 [sflag:s8], $0x0  }
0x24: {  	s3 =	sadd.s32 $0x88, s3;
	s6 =	simm.s32 @!p1 $0x1082;
	[sflag:s4] =	ssyncset.s32 $0xFFFFF086  }
0x25: {  	[simem:s6], [sflag:s4] =	dma.local [hbm:s3], $0xF7A  }
0x26: {  	[smem:$0x3F93] =	sst s1;
	(tag) =	ssettag s2;
	_ =	strace s9  }
0x27: {  	s1 =	sld [smem:$0x3FA3]  }
0x28: {  	s2 =	sld [smem:$0x3FA4]  }
0x29: {  	s4 =	sld [smem:$0x3FA6]  }
0x2a: {  	p0 =	seq.s32 s5, $0x0;
	s5 =	sld [smem:$0x3FA7]  }
0x2b: {  	s6 =	sld [smem:$0x3FA8]  }
0x2c: {  	s7 =	sld [smem:$0x3FA9]  }
0x2d: {  	s3 =	simm.s32 $0x108;
	s8 =	sld [smem:$0x3FAA]  }
0x2e: {  	s3 =	simm.s32 @!p0 $0x1082;
	s9 =	sld [smem:$0x3FAB]  }
0x2f: {  	lr =	sadd.s32 s0, s3;
	s0 =	sld [smem:$0x3FA2]  }
0x30: {  	s3 =	sld [smem:$0x3FA5]  }
0x31: {  	[smem:$0x3FAE] =	sst s10  }
0x32: {  	s10 =	sld [smem:$0x3FAC];
	_ =	sdelay $0x3  }
0x33: {  	p0 =	seq.s32 s10, $0x1;
	s10 =	sld [smem:$0x3FAE];
	_ =	sdelay $0x3  }
0x34: {  	[smem:$0x3FAE] =	sst s10  }
0x35: {  	s10 =	sld [smem:$0x3FAD];
	_ =	sdelay $0x3  }
0x36: {  	p1 =	seq.s32 s10, $0x1;
	s10 =	sld [smem:$0x3FAE];
	_ =	sdelay $0x3  }
0x37: {  	[smem:$0x3FAE] =	sst s10  }
0x38: {  	s10 =	sld [smem:$0x3FAF]  }
0x39: {  	_ = 	snop;
	(pc) =	sbr.ind lr, $3  }
0x3a: {  	_ = 	snop  }
0x3b: {  	_ = 	snop  }
0x3c: {  	p2 =	seq.s32 s10, $0x1;
	s10 =	sld [smem:$0x3FAE]  }
0x3d: {  	_ =	shalt  }
0x3e: {  	_ =	shalt  }
0x3f: {  	_ =	shalt  }
0x40: {  	_ =	shalt  }
0x41: {  	_ =	shalt  }
0x42: {  	_ =	shalt  }
0x43: {  	_ =	shalt  }
0x44: {  	_ =	shalt  }
0x45: {  	_ =	shalt  }
0x46: {  	_ =	shalt  }
0x47: {  	_ =	shalt  }
0x48: {  	_ =	shalt  }
0x49: {  	_ =	shalt  }
0x4a: {  	_ =	shalt  }
0x4b: {  	_ =	shalt  }
0x4c: {  	_ =	shalt  }
0x4d: {  	_ =	shalt  }
0x4e: {  	_ =	shalt  }
0x4f: {  	_ =	shalt  }
0x50: {  	_ =	shalt  }
0x51: {  	_ =	shalt  }
0x52: {  	_ =	shalt  }
0x53: {  	_ =	shalt  }
0x54: {  	_ =	shalt  }
0x55: {  	_ =	shalt  }
0x56: {  	_ =	shalt  }
0x57: {  	_ =	shalt  }
0x58: {  	_ =	shalt  }
0x59: {  	_ =	shalt  }
0x5a: {  	_ =	shalt  }
0x5b: {  	_ =	shalt  }
0x5c: {  	_ =	shalt  }
0x5d: {  	_ =	shalt  }
0x5e: {  	_ =	shalt  }
0x5f: {  	_ =	shalt  }
0x60: {  	_ =	shalt  }
0x61: {  	_ =	shalt  }
0x62: {  	_ =	shalt  }
0x63: {  	_ =	shalt  }
0x64: {  	_ =	shalt  }
0x65: {  	_ =	shalt  }
0x66: {  	_ =	shalt  }
0x67: {  	_ =	shalt  }
0x68: {  	_ =	shalt  }
0x69: {  	_ =	shalt  }
0x6a: {  	_ =	shalt  }
0x6b: {  	_ =	shalt  }
0x6c: {  	_ =	shalt  }
0x6d: {  	_ =	shalt  }
0x6e: {  	_ =	shalt  }
0x6f: {  	_ =	shalt  }
0x70: {  	_ =	shalt  }
0x71: {  	_ =	shalt  }
0x72: {  	_ =	shalt  }
0x73: {  	_ =	shalt  }
0x74: {  	_ =	shalt  }
0x75: {  	_ =	shalt  }
0x76: {  	_ =	shalt  }
0x77: {  	_ =	shalt  }
0x78: {  	_ =	shalt  }
0x79: {  	_ =	shalt  }
0x7a: {  	_ =	shalt  }
0x7b: {  	_ =	shalt  }
0x7c: {  	_ =	shalt  }
0x7d: {  	_ =	shalt  }
0x7e: {  	_ =	shalt  }
0x7f: {  	_ =	shalt  }
0x80: {  	_ =	shalt  }
0x81: {  	_ =	shalt  }
0x82: {  	_ =	shalt  }
0x83: {  	_ =	shalt  }
0x84: {  	_ =	shalt  }
0x85: {  	_ =	shalt  }
0x86: {  	_ =	shalt  }
0x87: {  	_ =	shalt  }
.Lfunc_end0:
.L_simem_size_0:
called_computation_lowered:
.L_overlay_start_0:
0x88: {  	s2 =	sld [smem:$0x3FD9]  }
0x89: {  	s3 =	sld [smem:$0x3FFE];
	_ =	sdelay $0x1  }
0x8a: {  	s1 =	srdreg.scid  }
0x8b: {  	s0 =	sand.u32 $0x1, s1  }
0x8c: {  	s17 =	sshll.u32 s0, $0xA;
	s2 =	sadd.s32 s3, s2  }
0x8d: {  	s2 =	sadd.s32 s2, s17  }
0x8e: {  	[smem:$0x3FBA] =	sst s2  }
0x8f: {  	_ = 	snop  }
0x90: {  	s2 =	sld [smem:$0x3FD0];
	(tm) =	ssettm $0x1  }
0x91: {  	s18 =	sld [smem:$0x3FFB];
	_ =	sdelay $0x3  }
0x92: {  	_ =	strace s18  }
0x93: {  	s3 =	sld [smem:$0x3FFC];
	_ =	sdelay $0x3  }
0x94: {  	_ =	strace s3  }
0x95: {  	s3 =	sld [smem:$0x3FFD];
	_ =	sdelay $0x3  }
0x96: {  	_ =	strace s3  }
0x97: {  	_ =	strace $0x8FFFFFFF  }
0x98: {  	s19 =	sld [smem:$0x3FDB];
	_ =	sdelay $0x1  }
0x99: {  	s4 =	simm.s32 $_scs_section_size  }
0x9a: {  	s5 =	simm.s32 $_size__tile_overlayer_lowered;
	s6 =	simm.s32 $_tile_overlayer_lowered  }
0x9b: {  	s22 =	simm.s32 $0x1BFF;
	s21 =	sshll.u32 s6, $0x1;
	s3 =	sadd.s32 s4, s19  }
0x9c: {  	s7 =	simm.s32 $0x0;
	s20 =	sshll.u32 s5, $0x1;
	s5 =	sadd.s32 s21, s3  }
0x9d: {  	[timem:s7], [sflag:s22] =	dma.local [hbm:s5], s20  }
0x9e: {  	_ =	swait.ge [sflag:s22], s20  }
0x9f: {  	s4 =	ssub.s32 $0x0, s20;
	[sflag:s22] =	ssyncset.done $0x0  }
0xa0: {  	[sflag:s22] =	ssyncadd.s32 s4;
	_ =	sdelay $0x1  }
0xa1: {  	s23 =	simm.s32 $0x1B8B  }
0xa2: {  	_ =	swait.ge [sflag:s23], $0x1  }
0xa3: {  	[sflag:s23] =	ssyncset.done $0x0  }
0xa4: {  	s25 =	simm.s32 $0x1B8E;
	s24 =	sld [smem:$0x3FFE];
	[sflag:s23] =	ssyncadd.s32 $0xFFFFFFFF  }
0xa5: {  	s26 =	simm.s32 $execute0_lowered;
	[smem:$0x3FD2] =	sst s25  }
0xa6: {  	s5 =	sshll.u32 s26, $0x1;
	_ =	strace $0x80000046;
	[dreg:$0x1] =	wrdreg $0xFFFFFFFF  }
0xa7: {  	s28 =	simm.s32 $_size_execute0_lowered;
	s3 =	sadd.s32 s3, s5;
	[dreg:$0x0] =	wrdreg $0x0  }
0xa8: {  	s5 =	sshll.u32 s28, $0x1;
	[dreg:$0x2] =	wrdreg s3  }
0xa9: {  	[dreg:$0x3] =	wrdreg s5  }
0xaa: {  	[dreg:$0x4] =	wrdreg $0xC0  }
0xab: {  	_ =	task [dreg:s7], $0x5FFFF  }
0xac: {  	[dreg:$0x1] =	wrdreg $0xFFFFFFFF  }
0xad: {  	[dreg:$0x0] =	wrdreg $0x60  }
0xae: {  	[dreg:$0x2] =	wrdreg s2  }
0xaf: {  	[dreg:$0x3] =	wrdreg s24  }
0xb0: {  	[dreg:$0x4] =	wrdreg $0x9  }
0xb1: {  	_ =	task.clear_ibuf [dreg:s7], $0x5FFFF;
	_ =	strace $0x90000046  }
0xb2: {  	s29 =	simm.s32 $0x9;
	_ =	strace $0x80000048  }
0xb3: {  	_ =	swait.ge [sflag:s29], $0x1  }
0xb4: {  	[sflag:s29] =	ssyncadd.s32 $0xFFFFFFFF  }
0xb5: {  	_ =	strace $0x90000048  }
0xb6: {  	_ =	sfence  }
0xb7: {  	s30 =	sld [smem:$0x0];
	_ =	sdelay $0x2  }
0xb8: {  	s31 =	sshll.u32 s1, $0xD;
	s1 =	sshrl.u32 s1, $0x2  }
0xb9: {  	s3 =	sand.u32 $0x4000, s31;
	s1 =	sadd.s32 s1, s30  }
0xba: {  	s0 =	sor.u32 s3, s0;
	s1 =	sshll.u32 s1, $0x11  }
0xbb: {  	s0 =	sor.u32 s1, s0  }
0xbc: {  	s0 =	sadd.s32 $0x8F2B, s0  }
0xbd: {  	[sflag:s0] =	ssyncadd.remote.s32 $0x1  }
0xbe: {  	_ =	sfence.sel $0xFFFF  }
0xbf: {  	[dreg:$0x0] =	wrdreg $0xFFFFFFFF;
	(pc) =	sbr.abs _section_cstart, $3  }
0xc0: {  	[dreg:$0x1] =	wrdreg $0xFFFFFFFF  }
0xc1: {  	_ =	task.clear_ibuf [dreg:s7], $0x2FFFF;
	_ =	strace $0x9FFFFFFF  }
0xc2: {  	(tm) =	ssettm $0x7FFFFFFF  }
0xc3: {  	_ =	shalt  }
tec
execute0_lowered:
.L_overlay_start_1:
0x0: {  	(tag) =	ssettag $0x1  }
0x1: {  	s1 =	rddreg [dreg:$0x0]  }
0x2: {  	s4 =	rddreg [dreg:$0x1]  }
0x3: {  	s0 =	rddreg [dreg:$0x2];
	s3 =	simm.s32 $0x0  }
0x4: {  	s5 =	srdreg.scid;
	s2 =	stileid.u32;
	s11 =	simm.s32 $0x0  }
0x5: {  	[smem:$0x7FF] =	sst s3;
	s5 =	sand.u32 $0x1, s5;
	s6 =	sshll.u32 s2, $0xC  }
0x6: {  	s8 =	smul.u32 $0x4E200, s2;
	_ =	strace $0x80000047;
	s7 =	sshll.u32 s5, $0xB  }
0x7: {  	s9 =	ssub.s32 $0x2, s5;
	s10 =	smul.u32 $0x27100, s5;
	s6 =	sor.u32 s7, s6  }
0x8: {  	s29 =	sshrl.u32 s9, $0x1;
	s31 =	sadd.s32 s8, s4;
	s8 =	simm.s32 $0x50  }
0x9: {  	s30 =	sadd.s32 s6, s4;
	s7 =	ssub.s32 s9, s29;
	s6 =	sadd.s32 s10, s31  }
0xa: {  	s9 =	simm.s32 $0x4000;
	s10 =	simm.s32 $0x1;
	s4 =	sadd.s32 $0x2000, s30  }
0xb: {  	s5 =	smax.u32 s7, $0x1;
	s6 =	sadd.s32 $0x12000, s6;
	s7 =	simm.s32 $0x2  }
.LBB2_1:
0xc: {  	[tilespmem:s3], [sflag:$0x2] =	stream.linear.gather [hbm4b:s4+s3], $0x3E80, $0x38;
	[tilespmem:$0x6800] =	vst v63  }
0xd: {  	_ =	swait.ge [sflag:s7], $0x3E80  }
0xe: {  	[sflag:s7] =	ssyncset.done $0x0  }
0xf: {  	s12 =	simm.s32 $0x0;
	[sflag:s7] =	ssyncadd.s32 $0xFFFFC180  }
0x10: {  	[tilespmem:s9], [sflag:$0x1] =	stream.indirect.gather [hbm4b:s1+s8], $0x80, s12, s8, $0xb8;
	[tilespmem:$0x6800] =	vst v63  }
0x11: {  	_ =	swait.ge [sflag:s10], $0x2800  }
0x12: {  	[sflag:s10] =	ssyncset.done $0x0  }
0x13: {  	[sflag:s10] =	ssyncadd.s32 $0xFFFFD800  }
0x14: {  	[hbm4b:s6+s3] =	stream.linear.scatter [tilespmem:s9], [sflag:$0x2], $0x2800, $0x38;
	[tilespmem:$0x6800] =	vst v63  }
0x15: {  	s13 =	simm.s32 $0x200;
	_ =	swait.ge [sflag:s7], $0x2800  }
0x16: {  	s14 =	simm.s32 $0x400;
	s12 =	sadd.s32 $0x500, s6;
	[sflag:s7] =	ssyncset.done $0x0  }
.LBB2_2:
0x17: {  	s15 =	sshra.s32 s13, $0x2  }
0x18: {  	[sflag:s7] =	ssyncadd.s32 $0xFFFFD800;
	s13 =	smov.u32 s14;
	s16 =	sadd.s32 $0x200, s14  }
0x19: {  	[tilespmem:s9], [sflag:$0x1] =	stream.indirect.gather [hbm4b:s1+s8], $0x80, s15, s8, $0xb8;
	[tilespmem:$0x6800] =	vst v63  }
0x1a: {  	p0 =	sne.s32 s14, $0xF800;
	_ =	swait.ge [sflag:s10], $0x2800  }
.Ltmp0:
0x1b: {  	[sflag:s10] =	ssyncset.done $0x0;
	(pc) =	sbr.rel @p0 .LBB2_2-.Ltmp0, $4  }
0x1c: {  	[sflag:s10] =	ssyncadd.s32 $0xFFFFD800  }
0x1d: {  	[hbm4b:s12+s3] =	stream.linear.scatter [tilespmem:s9], [sflag:$0x2], $0x2800, $0x38;
	[tilespmem:$0x6800] =	vst v63  }
0x1e: {  	_ =	swait.ge [sflag:s7], $0x2800  }
0x1f: {  	s14 =	smov.u32 s16;
	s12 =	sadd.s32 $0x500, s12;
	[sflag:s7] =	ssyncset.done $0x0  }
0x20: {  	s13 =	sshra.s32 s13, $0x2;
	[sflag:s7] =	ssyncadd.s32 $0xFFFFD800  }
0x21: {  	[tilespmem:s9], [sflag:$0x1] =	stream.indirect.gather [hbm4b:s1+s8], $0x80, s13, s8, $0xb8;
	[tilespmem:$0x6800] =	vst v63  }
0x22: {  	s11 =	sadd.s32 $0x1, s11;
	_ =	swait.ge [sflag:s10], $0x2800  }
0x23: {  	p0 =	sne.s32 s11, s5;
	[sflag:s10] =	ssyncset.done $0x0  }
.Ltmp1:
0x24: {  	[sflag:s10] =	ssyncadd.s32 $0xFFFFD800;
	(pc) =	sbr.rel @p0 .LBB2_1-.Ltmp1, $4  }
0x25: {  	[hbm4b:s12+s3] =	stream.linear.scatter [tilespmem:s9], [sflag:$0x2], $0x2800, $0x38;
	[tilespmem:$0x6800] =	vst v63  }
0x26: {  	_ =	swait.ge [sflag:s7], $0x2800  }
0x27: {  	[sflag:s7] =	ssyncset.done $0x0  }
0x28: {  	[sflag:s7] =	ssyncadd.s32 $0xFFFFD800  }
0x29: {  	_ =	sfence.sel $0x180000  }
0x2a: {  	[bflag:$0x0] =	sbarrier.arrive $0xFFFF  }
0x2b: {  	p0 =	sne.s32 s2, $0x0;
	_ =	strace $0x90000047  }
0x2c: {  	s0 =	sadd.s32 @!p0 $0x100000, s0;
	[bflag:$0x2] =	sbarrier.arrive $0xFFFF  }
0x2d: {  	[sflag:s0] =	ssyncadd.tile.s32 @!p0 $0x1;
	_ =	shalt  }
.Lfunc_end2:
_tile_overlayer_lowered:
.L_overlay_start_2:
0x2e: {  	(tag) =	ssettag $0x2  }
0x2f: {  	s0 =	rddreg [dreg:$0x0];
	s2 =	stileid.u32  }
0x30: {  	s1 =	rddreg [dreg:$0x1];
	p0 =	sne.s32 s2, $0x0  }
0x31: {  	s3 =	rddreg [dreg:$0x2];
	[bflag:$0x3] =	sbarrier.arrive $0xFFFF;
	s2 =	simm.s32 @!p0 $0x1C02  }
0x32: {  	[timem:s3], [sflag:s2] =	dma.local @!p0 [hbm:s0], s1  }
0x33: {  	s0 =	simm.s32 @!p0 $0x2  }
0x34: {  	_ =	swait.ge @!p0 [sflag:s0], s1  }
0x35: {  	s1 =	ssub.s32 @!p0 $0x0, s1;
	[sflag:s0] =	ssyncset.done @!p0 $0x0  }
0x36: {  	[sflag:s0] =	ssyncadd.s32 @!p0 s1  }
0x37: {  	[bflag:$0x3] =	sbarrier.arrive $0xFFFF  }
0x38: {  	_ =	shalt  }

</sc_bundles>
